<compile_context>
chip_gen: v7x
topology: tpu7x:2x2x1
jax: 0.10.2.dev20260603
libtpu: 0.0.44.dev20260713+nightly
codegen_flags: <defaults>
</compile_context>

<pallas_src>
import functools

import jax
import jax.numpy as jnp
from jax import lax
from jax.experimental import pallas as pl
from jax.experimental.pallas import tpu as pltpu
from jax.experimental.pallas import tpu_sc as plsc

D_E = 64
L_MAX = 2048
VOCAB = 1000000

_cached = None


def _build():
    global _cached
    if _cached is not None:
        return _cached

    info = plsc.get_sparse_core_info()
    NC, NS, L = info.num_cores, info.num_subcores, info.num_lanes
    NW = NC * NS
    BPW = L_MAX // NW
    OROWS = BPW // 2
    NCH = BPW * D_E // L

    mesh = plsc.VectorSubcoreMesh(core_axis_name="c", subcore_axis_name="s")

    @functools.partial(
        pl.kernel,
        mesh=mesh,
        out_type=jax.ShapeDtypeStruct((L_MAX // 2, 128), jnp.float32),
        compiler_params=pltpu.CompilerParams(needs_layout_passes=False),
        scratch_types=[
            pltpu.VMEM((BPW,), jnp.int32),
            pltpu.VMEM((BPW, 128), jnp.float32),
            pltpu.VMEM((OROWS, 128), jnp.float32),
            pltpu.VMEM((OROWS, 128), jnp.float32),
            pltpu.SemaphoreType.DMA,
            pltpu.SemaphoreType.DMA,
        ],
    )
    def emb(x_hbm, tbl_hbm, pos_hbm, out_hbm,
            idx_v, rows_v, pos_v, out_v, sem_g, sem_p):
        wid = lax.axis_index("s") * NC + lax.axis_index("c")
        base = wid * BPW
        obase = wid * OROWS

        pltpu.sync_copy(x_hbm.at[pl.ds(base, BPW)], idx_v)
        gather = pltpu.make_async_copy(tbl_hbm.at[idx_v], rows_v, sem_g)
        gather.start()
        pos_cp = pltpu.make_async_copy(
            pos_hbm.at[pl.ds(obase, OROWS)], pos_v, sem_p)
        pos_cp.start()
        gather.wait()
        pos_cp.wait()

        iot = lax.iota(jnp.int32, 16)

        def body(c, carry):
            k = c * 16 + iot
            t = lax.shift_right_logical(k, 6)
            d = lax.bitwise_and(k, 63)
            gv = plsc.load_gather(rows_v, [t, d])
            r = lax.shift_right_logical(k, 7)
            cc = lax.bitwise_and(k, 127)
            pv = plsc.load_gather(pos_v, [r, cc])
            plsc.store_scatter(out_v, [r, cc], gv + pv)
            return carry

        lax.fori_loop(0, NCH, body, 0)
        pltpu.sync_copy(out_v, out_hbm.at[pl.ds(obase, OROWS)])

    _cached = emb
    return emb


def kernel(x, word_table, pos_table):
    emb = _build()
    tblw = jnp.concatenate(
        [word_table, jnp.zeros((VOCAB, 128 - D_E), jnp.float32)], axis=1)
    pos2 = pos_table.reshape(L_MAX // 2, 128)
    out2 = emb(x.astype(jnp.int32), tblw, pos2)
    return out2.reshape(L_MAX, D_E)

# --- scband reference (transcript-rebuilt; emitter-appended) ---
"""Pipeline reference for scband-dtransformer-embedding-34540126994749 (READ-ONLY COPY).

The authoritative reference and input builder live on the scoring server;
editing this copy changes nothing except your own understanding.
"""

import jax, jax.numpy as jnp
import numpy as np

D_E = 64
L_MAX = 2048
VOCAB = 1000000


def setup_inputs(seed: int = 0) -> dict:
    key = jax.random.key(seed)
    k1, k2, k3 = jax.random.split(key, 3)
    x = jax.random.randint(k1, (L_MAX,), 0, VOCAB, dtype=jnp.int64 if jax.config.jax_enable_x64 else jnp.int32)
    word_table = jax.random.normal(k2, (VOCAB, D_E), dtype=jnp.float32) * 0.02
    pos_table = jax.random.normal(k3, (L_MAX, D_E), dtype=jnp.float32) * 0.02
    return {"x": x, "word_table": word_table, "pos_table": pos_table}


def reference(x, word_table, pos_table):
    # Faithful translation of DTransformerEmbedding.__call__:
    # X[i, :] = word_embed(x)[i, :] + pos_embed(arange(l_max))[i, :]
    x_int = x.astype(jnp.int32)
    x_enum = jnp.arange(L_MAX, dtype=jnp.int32)
    x_pembed = jnp.take(pos_table, x_enum, axis=0)
    x_wembed = jnp.take(word_table, x_int, axis=0)
    X = x_wembed + x_pembed
    return X

if __name__ == "__main__":
    import jax
    _d = setup_inputs()
    print(jax.jit(kernel)(*tuple(_d.values())))

</pallas_src>

<mosaic_0001>
#map = affine_map<(d0, d1) -> (0)>
#map1 = affine_map<(d0, d1) -> (0, 0)>
module attributes {stable_mosaic.version = 14 : i64} {
  func.func @emb(%arg0: i32, %arg1: i32, %arg2: memref<2048xi32, #tpu.memory_space<hbm>>, %arg3: memref<1000000x128xf32, #tpu.memory_space<hbm>>, %arg4: memref<1024x128xf32, #tpu.memory_space<hbm>>, %arg5: memref<1024x128xf32, #tpu.memory_space<hbm>>, %arg6: memref<64xi32, #tpu.memory_space<vmem>>, %arg7: memref<64x128xf32, #tpu.memory_space<vmem>>, %arg8: memref<32x128xf32, #tpu.memory_space<vmem>>, %arg9: memref<32x128xf32, #tpu.memory_space<vmem>>, %arg10: memref<!tpu.dma_semaphore, #tpu.memory_space<semaphore_mem>>, %arg11: memref<!tpu.dma_semaphore, #tpu.memory_space<semaphore_mem>>) attributes {dimension_semantics = [#tpu.dimension_semantics<core_parallel>, #tpu.dimension_semantics<subcore_parallel>], iteration_bounds = array<i64: 2, 16>, scalar_prefetch = 0 : i64, scratch_operands = 6 : i64, tpu.core_type = #tpu.core_type<sc_vector_subcore>, window_params = [{transform_indices = #map}, {transform_indices = #map1}, {transform_indices = #map1}, {transform_indices = #map1}]} {
    %mul3A = arith.constant 2 : i32
    %mul3A_0 = arith.muli %arg1, %mul3A : i32
    %add3A = arith.addi %mul3A_0, %arg0 : i32
    %mul3A_1 = arith.constant 64 : i32
    %mul3A_2 = arith.muli %add3A, %mul3A_1 : i32
    %mul3A_3 = arith.constant 32 : i32
    %mul3A_4 = arith.muli %add3A, %mul3A_3 : i32
    "tpu.region"() ({
      %run_scoped3A = tpu.sem_alloc : memref<!tpu.dma_semaphore, #tpu.memory_space<semaphore_mem>>
      %dma_start3A_22 = tpu.memref_slice %arg2[%mul3A_2] : memref<2048xi32, #tpu.memory_space<hbm>> -> memref<64xi32, #tpu.memory_space<hbm>>
      %dma_start3A_23 = tpu.memref_slice %arg2[%mul3A_2] : memref<2048xi32, #tpu.memory_space<hbm>> -> memref<64xi32, #tpu.memory_space<hbm>>
      tpu.enqueue_dma source(%dma_start3A_23 : memref<64xi32, #tpu.memory_space<hbm>>) target(%arg6 : memref<64xi32, #tpu.memory_space<vmem>>) target_semaphore(%run_scoped3A : memref<!tpu.dma_semaphore, #tpu.memory_space<semaphore_mem>>)
      %dma_wait3A_24 = tpu.memref_slice %arg2[%mul3A_2] : memref<2048xi32, #tpu.memory_space<hbm>> -> memref<64xi32, #tpu.memory_space<hbm>>
      %dma_wait3A_25 = tpu.memref_slice %arg2[%mul3A_2] : memref<2048xi32, #tpu.memory_space<hbm>> -> memref<64xi32, #tpu.memory_space<hbm>>
      tpu.wait_dma2 semaphore(%run_scoped3A : memref<!tpu.dma_semaphore, #tpu.memory_space<semaphore_mem>>) src(%dma_wait3A_25 : memref<64xi32, #tpu.memory_space<hbm>>) dst(%arg6 : memref<64xi32, #tpu.memory_space<vmem>>)
      tpu.yield
    }) : () -> ()
    %dma_start3A = arith.constant 0 : i32
    %dma_start3A_5 = arith.constant 0 : i32
    %dma_start3A_6 = tpu.memref_slice %arg3[%dma_start3A, %dma_start3A_5] : memref<1000000x128xf32, #tpu.memory_space<hbm>> -> memref<1000000x128xf32, #tpu.memory_space<hbm>>
    tpu.enqueue_indirect_dma source(%dma_start3A_6 : memref<1000000x128xf32, #tpu.memory_space<hbm>>) target(%arg7 : memref<64x128xf32, #tpu.memory_space<vmem>>) offsets(%arg6 : memref<64xi32, #tpu.memory_space<vmem>>) semaphore(%arg10 : memref<!tpu.dma_semaphore, #tpu.memory_space<semaphore_mem>>)
    %dma_start3A_7 = arith.constant 0 : i32
    %dma_start3A_8 = tpu.memref_slice %arg4[%mul3A_4, %dma_start3A_7] : memref<1024x128xf32, #tpu.memory_space<hbm>> -> memref<32x128xf32, #tpu.memory_space<hbm>>
    %dma_start3A_9 = arith.constant 0 : i32
    %dma_start3A_10 = tpu.memref_slice %arg4[%mul3A_4, %dma_start3A_9] : memref<1024x128xf32, #tpu.memory_space<hbm>> -> memref<32x128xf32, #tpu.memory_space<hbm>>
    tpu.enqueue_dma source(%dma_start3A_10 : memref<32x128xf32, #tpu.memory_space<hbm>>) target(%arg8 : memref<32x128xf32, #tpu.memory_space<vmem>>) target_semaphore(%arg11 : memref<!tpu.dma_semaphore, #tpu.memory_space<semaphore_mem>>)
    %dma_wait3A = arith.constant 0 : i32
    %dma_wait3A_11 = arith.constant 0 : i32
    %dma_wait3A_12 = tpu.memref_slice %arg3[%dma_wait3A, %dma_wait3A_11] : memref<1000000x128xf32, #tpu.memory_space<hbm>> -> memref<1000000x128xf32, #tpu.memory_space<hbm>>
    tpu.wait_indirect_dma semaphore(%arg10 : memref<!tpu.dma_semaphore, #tpu.memory_space<semaphore_mem>>) src(%dma_wait3A_12 : memref<1000000x128xf32, #tpu.memory_space<hbm>>) dst(%arg7 : memref<64x128xf32, #tpu.memory_space<vmem>>)
    %dma_wait3A_13 = arith.constant 0 : i32
    %dma_wait3A_14 = tpu.memref_slice %arg4[%mul3A_4, %dma_wait3A_13] : memref<1024x128xf32, #tpu.memory_space<hbm>> -> memref<32x128xf32, #tpu.memory_space<hbm>>
    %dma_wait3A_15 = arith.constant 0 : i32
    %dma_wait3A_16 = tpu.memref_slice %arg4[%mul3A_4, %dma_wait3A_15] : memref<1024x128xf32, #tpu.memory_space<hbm>> -> memref<32x128xf32, #tpu.memory_space<hbm>>
    tpu.wait_dma2 semaphore(%arg11 : memref<!tpu.dma_semaphore, #tpu.memory_space<semaphore_mem>>) src(%dma_wait3A_16 : memref<32x128xf32, #tpu.memory_space<hbm>>) dst(%arg8 : memref<32x128xf32, #tpu.memory_space<vmem>>)
    %iota3A = tpu.iota {dimensions = array<i32: 0>} : vector<16xi32>
    %scan3A = arith.constant 0 : i32
    %scan3A_17 = arith.constant 0 : i32
    %scan3A_18 = arith.constant 256 : i32
    %scan3A_19 = arith.addi %scan3A_17, %scan3A_18 : i32
    %scan3A_20 = arith.constant 1 : i32
    scf.for %scan3A_22 = %scan3A_17 to %scan3A_19 step %scan3A_20  : i32 {
      %mul3A_23 = arith.constant 16 : i32
      %mul3A_24 = arith.muli %scan3A_22, %mul3A_23 : i32
      %add3A_25 = vector.broadcast %mul3A_24 : i32 to vector<16xi32>
      %add3A_26 = arith.addi %add3A_25, %iota3A : vector<16xi32>
      %shift_right_logical3A = arith.constant 6 : i32
      %shift_right_logical3A_27 = vector.broadcast %shift_right_logical3A : i32 to vector<16xi32>
      %shift_right_logical3A_28 = arith.shrui %add3A_26, %shift_right_logical3A_27 : vector<16xi32>
      %and3A = arith.constant 63 : i32
      %and3A_29 = vector.broadcast %and3A : i32 to vector<16xi32>
      %and3A_30 = arith.andi %add3A_26, %and3A_29 : vector<16xi32>
      %gather3A = tpu.vector_load_idx %arg7[%shift_right_logical3A_28, %and3A_30] : memref<64x128xf32, #tpu.memory_space<vmem>>[vector<16xi32>, vector<16xi32>], vector<16xf32>,
      %shift_right_logical3A_31 = arith.constant 7 : i32
      %shift_right_logical3A_32 = vector.broadcast %shift_right_logical3A_31 : i32 to vector<16xi32>
      %shift_right_logical3A_33 = arith.shrui %add3A_26, %shift_right_logical3A_32 : vector<16xi32>
      %and3A_34 = arith.constant 127 : i32
      %and3A_35 = vector.broadcast %and3A_34 : i32 to vector<16xi32>
      %and3A_36 = arith.andi %add3A_26, %and3A_35 : vector<16xi32>
      %gather3A_37 = tpu.vector_load_idx %arg8[%shift_right_logical3A_33, %and3A_36] : memref<32x128xf32, #tpu.memory_space<vmem>>[vector<16xi32>, vector<16xi32>], vector<16xf32>,
      %add3A_38 = arith.addf %gather3A, %gather3A_37 : vector<16xf32>
      tpu.vector_store_idx %arg9[%shift_right_logical3A_33, %and3A_36], %add3A_38 : memref<32x128xf32, #tpu.memory_space<vmem>>[vector<16xi32>, vector<16xi32>], vector<16xf32>,
    }
    %scan3A_21 = arith.constant 256 : i32
    "tpu.region"() ({
      %run_scoped3A = tpu.sem_alloc : memref<!tpu.dma_semaphore, #tpu.memory_space<semaphore_mem>>
      %dma_start3A_22 = arith.constant 0 : i32
      %dma_start3A_23 = tpu.memref_slice %arg5[%mul3A_4, %dma_start3A_22] : memref<1024x128xf32, #tpu.memory_space<hbm>> -> memref<32x128xf32, #tpu.memory_space<hbm>>
      %dma_start3A_24 = arith.constant 0 : i32
      %dma_start3A_25 = tpu.memref_slice %arg5[%mul3A_4, %dma_start3A_24] : memref<1024x128xf32, #tpu.memory_space<hbm>> -> memref<32x128xf32, #tpu.memory_space<hbm>>
      tpu.enqueue_dma source(%arg9 : memref<32x128xf32, #tpu.memory_space<vmem>>) target(%dma_start3A_25 : memref<32x128xf32, #tpu.memory_space<hbm>>) target_semaphore(%run_scoped3A : memref<!tpu.dma_semaphore, #tpu.memory_space<semaphore_mem>>)
      %dma_wait3A_26 = arith.constant 0 : i32
      %dma_wait3A_27 = tpu.memref_slice %arg5[%mul3A_4, %dma_wait3A_26] : memref<1024x128xf32, #tpu.memory_space<hbm>> -> memref<32x128xf32, #tpu.memory_space<hbm>>
      %dma_wait3A_28 = arith.constant 0 : i32
      %dma_wait3A_29 = tpu.memref_slice %arg5[%mul3A_4, %dma_wait3A_28] : memref<1024x128xf32, #tpu.memory_space<hbm>> -> memref<32x128xf32, #tpu.memory_space<hbm>>
      tpu.wait_dma2 semaphore(%run_scoped3A : memref<!tpu.dma_semaphore, #tpu.memory_space<semaphore_mem>>) src(%arg9 : memref<32x128xf32, #tpu.memory_space<vmem>>) dst(%dma_wait3A_29 : memref<32x128xf32, #tpu.memory_space<hbm>>)
      tpu.yield
    }) : () -> ()
    return
  }
}

</mosaic_0001>

<sc_bundles>
// kernel: kernel.3.cloned.1.call-start
scs
__scs_entry_jumppad:
0x0: {  	(pc) =	sbr.rel $0x88, $3  }
0x1: {  	(tag) =	ssettag $0x0;
	lr =	simm.s32 $0x1  }
0x2: {  	[smem:$0x3F9E] =	sst lr;
	_ =	strace $0xD0000000  }
0x3: {  	_ = 	snop  }
0x4: {  	_ = 	snop  }
0x5: {  	_ = 	snop  }
0x6: {  	_ = 	snop  }
0x7: {  	_ = 	snop  }
__scs_overlays_trampoline_lowered:
0x8: {  	[smem:$0x3FAD] =	sst s0  }
0x9: {  	[smem:$0x3FAE] =	sst s1  }
0xa: {  	[smem:$0x3FAF] =	sst s2  }
0xb: {  	[smem:$0x3FB0] =	sst s3  }
0xc: {  	[smem:$0x3FB1] =	sst s4  }
0xd: {  	[smem:$0x3FB2] =	sst s5  }
0xe: {  	[smem:$0x3FB3] =	sst s6  }
0xf: {  	[smem:$0x3FB4] =	sst s7  }
0x10: {  	[smem:$0x3FB5] =	sst s8  }
0x11: {  	[smem:$0x3FB6] =	sst s9;
	s0 =	simm.s32 @!p0 $0x0  }
0x12: {  	s1 =	sld [smem:$0x3F9C];
	s0 =	simm.s32 @p0 $0x1  }
0x13: {  	[smem:$0x3FB7] =	sst s0;
	s0 =	simm.s32 @!p1 $0x0  }
0x14: {  	s2 =	sld [smem:$0x3F9B];
	s0 =	simm.s32 @p1 $0x1  }
0x15: {  	[smem:$0x3FB8] =	sst s0;
	s0 =	simm.s32 @!p2 $0x0  }
0x16: {  	s3 =	sld [smem:$0x3FDB];
	s0 =	simm.s32 @p2 $0x1  }
0x17: {  	s4 =	simm.s32 $0x1BF5;
	[smem:$0x3FBA] =	sst s0  }
0x18: {  	s0 =	sld [smem:$0x3F9D];
	_ =	swait.ge [sflag:s4], $0x0  }
0x19: {  	s7 =	sld [smem:$0x3F9E]  }
0x1a: {  	s8 =	sadd.s32 $0xFFFFE003, lr  }
0x1b: {  	s9 =	sadd.s32 $0xFFFFFEF7, lr;
	s5 =	simm.s32 $0xFFFFFFFF;
	p2 =	slt.u32 s8, $0xFFFFF086  }
0x1c: {  	p1 =	slt.u32 s9, $0xF7A;
	s5 =	simm.s32 @!p2 $0x0  }
0x1d: {  	s5 =	simm.s32 @p1 $0x1;
	p0 =	seq.s32 s7, s2  }
0x1e: {  	s7 =	smul.u32 @!p0 $0xF7A, s2;
	p2 =	seq.s32 @!p0 s5, $0x0  }
0x1f: {  	s9 =	smul.u32 $0xF7A, s1;
	s8 =	simm.s32 @!p0 $0x1BF5;
	p2 =	por !p2, p0  }
0x20: {  	[sflag:s8] =	ssyncset.s32 @!p0 $0xFFFFF086;
	s6 =	sadd.s32 @!p0 s3, s7;
	s7 =	simm.s32 @!p0 $0x108  }
0x21: {  	s3 =	sadd.s32 s3, s9;
	s6 =	sadd.s32 @!p0 $0x88, s6;
	s7 =	simm.s32 @p2 $0x1082  }
0x22: {  	[simem:s7], [sflag:s8] =	dma.local @!p0 [hbm:s6], $0xF7A  }
0x23: {  	s9 =	sor.u32 $0xD0000000, s2;
	s6 =	simm.s32 $0x108;
	_ =	swait.ge @!p0 [sflag:s8], $0x0  }
0x24: {  	s3 =	sadd.s32 $0x88, s3;
	s6 =	simm.s32 @!p1 $0x1082;
	[sflag:s4] =	ssyncset.s32 $0xFFFFF086  }
0x25: {  	[simem:s6], [sflag:s4] =	dma.local [hbm:s3], $0xF7A  }
0x26: {  	[smem:$0x3F9E] =	sst s1;
	(tag) =	ssettag s2;
	_ =	strace s9  }
0x27: {  	s1 =	sld [smem:$0x3FAE]  }
0x28: {  	s2 =	sld [smem:$0x3FAF]  }
0x29: {  	s4 =	sld [smem:$0x3FB1]  }
0x2a: {  	p0 =	seq.s32 s5, $0x0;
	s5 =	sld [smem:$0x3FB2]  }
0x2b: {  	s6 =	sld [smem:$0x3FB3]  }
0x2c: {  	s7 =	sld [smem:$0x3FB4]  }
0x2d: {  	s3 =	simm.s32 $0x108;
	s8 =	sld [smem:$0x3FB5]  }
0x2e: {  	s3 =	simm.s32 @!p0 $0x1082;
	s9 =	sld [smem:$0x3FB6]  }
0x2f: {  	lr =	sadd.s32 s0, s3;
	s0 =	sld [smem:$0x3FAD]  }
0x30: {  	s3 =	sld [smem:$0x3FB0]  }
0x31: {  	[smem:$0x3FB9] =	sst s10  }
0x32: {  	s10 =	sld [smem:$0x3FB7];
	_ =	sdelay $0x3  }
0x33: {  	p0 =	seq.s32 s10, $0x1;
	s10 =	sld [smem:$0x3FB9];
	_ =	sdelay $0x3  }
0x34: {  	[smem:$0x3FB9] =	sst s10  }
0x35: {  	s10 =	sld [smem:$0x3FB8];
	_ =	sdelay $0x3  }
0x36: {  	p1 =	seq.s32 s10, $0x1;
	s10 =	sld [smem:$0x3FB9];
	_ =	sdelay $0x3  }
0x37: {  	[smem:$0x3FB9] =	sst s10  }
0x38: {  	s10 =	sld [smem:$0x3FBA]  }
0x39: {  	_ = 	snop;
	(pc) =	sbr.ind lr, $3  }
0x3a: {  	_ = 	snop  }
0x3b: {  	_ = 	snop  }
0x3c: {  	p2 =	seq.s32 s10, $0x1;
	s10 =	sld [smem:$0x3FB9]  }
0x3d: {  	_ =	shalt  }
0x3e: {  	_ =	shalt  }
0x3f: {  	_ =	shalt  }
0x40: {  	_ =	shalt  }
0x41: {  	_ =	shalt  }
0x42: {  	_ =	shalt  }
0x43: {  	_ =	shalt  }
0x44: {  	_ =	shalt  }
0x45: {  	_ =	shalt  }
0x46: {  	_ =	shalt  }
0x47: {  	_ =	shalt  }
0x48: {  	_ =	shalt  }
0x49: {  	_ =	shalt  }
0x4a: {  	_ =	shalt  }
0x4b: {  	_ =	shalt  }
0x4c: {  	_ =	shalt  }
0x4d: {  	_ =	shalt  }
0x4e: {  	_ =	shalt  }
0x4f: {  	_ =	shalt  }
0x50: {  	_ =	shalt  }
0x51: {  	_ =	shalt  }
0x52: {  	_ =	shalt  }
0x53: {  	_ =	shalt  }
0x54: {  	_ =	shalt  }
0x55: {  	_ =	shalt  }
0x56: {  	_ =	shalt  }
0x57: {  	_ =	shalt  }
0x58: {  	_ =	shalt  }
0x59: {  	_ =	shalt  }
0x5a: {  	_ =	shalt  }
0x5b: {  	_ =	shalt  }
0x5c: {  	_ =	shalt  }
0x5d: {  	_ =	shalt  }
0x5e: {  	_ =	shalt  }
0x5f: {  	_ =	shalt  }
0x60: {  	_ =	shalt  }
0x61: {  	_ =	shalt  }
0x62: {  	_ =	shalt  }
0x63: {  	_ =	shalt  }
0x64: {  	_ =	shalt  }
0x65: {  	_ =	shalt  }
0x66: {  	_ =	shalt  }
0x67: {  	_ =	shalt  }
0x68: {  	_ =	shalt  }
0x69: {  	_ =	shalt  }
0x6a: {  	_ =	shalt  }
0x6b: {  	_ =	shalt  }
0x6c: {  	_ =	shalt  }
0x6d: {  	_ =	shalt  }
0x6e: {  	_ =	shalt  }
0x6f: {  	_ =	shalt  }
0x70: {  	_ =	shalt  }
0x71: {  	_ =	shalt  }
0x72: {  	_ =	shalt  }
0x73: {  	_ =	shalt  }
0x74: {  	_ =	shalt  }
0x75: {  	_ =	shalt  }
0x76: {  	_ =	shalt  }
0x77: {  	_ =	shalt  }
0x78: {  	_ =	shalt  }
0x79: {  	_ =	shalt  }
0x7a: {  	_ =	shalt  }
0x7b: {  	_ =	shalt  }
0x7c: {  	_ =	shalt  }
0x7d: {  	_ =	shalt  }
0x7e: {  	_ =	shalt  }
0x7f: {  	_ =	shalt  }
0x80: {  	_ =	shalt  }
0x81: {  	_ =	shalt  }
0x82: {  	_ =	shalt  }
0x83: {  	_ =	shalt  }
0x84: {  	_ =	shalt  }
0x85: {  	_ =	shalt  }
0x86: {  	_ =	shalt  }
0x87: {  	_ =	shalt  }
.Lfunc_end0:
.L_simem_size_0:
called_computation_lowered:
.L_overlay_start_0:
0x88: {  	s2 =	sld [smem:$0x3FD9]  }
0x89: {  	s3 =	sld [smem:$0x3FFE];
	_ =	sdelay $0x1  }
0x8a: {  	s1 =	srdreg.scid  }
0x8b: {  	s0 =	sand.u32 $0x1, s1  }
0x8c: {  	s17 =	sshll.u32 s0, $0xA;
	s2 =	sadd.s32 s3, s2  }
0x8d: {  	s2 =	sadd.s32 s2, s17  }
0x8e: {  	[smem:$0x3FC5] =	sst s2  }
0x8f: {  	_ = 	snop  }
0x90: {  	s2 =	sld [smem:$0x3FC9]  }
0x91: {  	s18 =	sld [smem:$0x3FD0];
	(tm) =	ssettm $0x1  }
0x92: {  	s4 =	sld [smem:$0x3FFB];
	_ =	sdelay $0x3  }
0x93: {  	_ =	strace s4  }
0x94: {  	s4 =	sld [smem:$0x3FFC];
	_ =	sdelay $0x3  }
0x95: {  	_ =	strace s4  }
0x96: {  	s4 =	sld [smem:$0x3FFD];
	_ =	sdelay $0x3  }
0x97: {  	_ =	strace s4  }
0x98: {  	_ =	strace $0x8FFFFFFF  }
0x99: {  	s19 =	sld [smem:$0x3FDB];
	_ =	sdelay $0x1  }
0x9a: {  	s5 =	simm.s32 $_scs_section_size  }
0x9b: {  	s6 =	simm.s32 $_size__tile_overlayer_lowered;
	s7 =	simm.s32 $_tile_overlayer_lowered  }
0x9c: {  	s22 =	simm.s32 $0x1BFF;
	s21 =	sshll.u32 s7, $0x1;
	s4 =	sadd.s32 s5, s19  }
0x9d: {  	s8 =	simm.s32 $0x0;
	s20 =	sshll.u32 s6, $0x1;
	s6 =	sadd.s32 s21, s4  }
0x9e: {  	[timem:s8], [sflag:s22] =	dma.local [hbm:s6], s20  }
0x9f: {  	_ =	swait.ge [sflag:s22], s20  }
0xa0: {  	s5 =	ssub.s32 $0x0, s20;
	[sflag:s22] =	ssyncset.done $0x0  }
0xa1: {  	[sflag:s22] =	ssyncadd.s32 s5;
	_ =	sdelay $0x1  }
0xa2: {  	s23 =	simm.s32 $0x1B8B  }
0xa3: {  	_ =	swait.ge [sflag:s23], $0x1  }
0xa4: {  	[sflag:s23] =	ssyncset.done $0x0  }
0xa5: {  	s25 =	simm.s32 $0x1B8E;
	s24 =	sld [smem:$0x3FFE];
	[sflag:s23] =	ssyncadd.s32 $0xFFFFFFFF  }
0xa6: {  	s26 =	simm.s32 $execute0_lowered;
	[smem:$0x3FD2] =	sst s25  }
0xa7: {  	s6 =	sshll.u32 s26, $0x1;
	_ =	strace $0x80000046;
	[dreg:$0x1] =	wrdreg $0xFFFFFFFF  }
0xa8: {  	s28 =	simm.s32 $_size_execute0_lowered;
	s4 =	sadd.s32 s4, s6;
	[dreg:$0x0] =	wrdreg $0x0  }
0xa9: {  	s6 =	sshll.u32 s28, $0x1;
	[dreg:$0x2] =	wrdreg s4  }
0xaa: {  	[dreg:$0x3] =	wrdreg s6  }
0xab: {  	[dreg:$0x4] =	wrdreg $0xC0  }
0xac: {  	_ =	task [dreg:s8], $0x5FFFF  }
0xad: {  	[dreg:$0x1] =	wrdreg $0xFFFFFFFF  }
0xae: {  	[dreg:$0x0] =	wrdreg $0x60  }
0xaf: {  	[dreg:$0x2] =	wrdreg s2  }
0xb0: {  	[dreg:$0x3] =	wrdreg s24  }
0xb1: {  	[dreg:$0x4] =	wrdreg s18  }
0xb2: {  	[dreg:$0x5] =	wrdreg $0x9  }
0xb3: {  	_ =	task.clear_ibuf [dreg:s8], $0x6FFFF;
	_ =	strace $0x90000046  }
0xb4: {  	s29 =	simm.s32 $0x9;
	_ =	strace $0x80000048  }
0xb5: {  	_ =	swait.ge [sflag:s29], $0x1  }
0xb6: {  	[sflag:s29] =	ssyncadd.s32 $0xFFFFFFFF  }
0xb7: {  	_ =	strace $0x90000048  }
0xb8: {  	_ =	sfence  }
0xb9: {  	s30 =	sld [smem:$0x0];
	_ =	sdelay $0x2  }
0xba: {  	s31 =	sshll.u32 s1, $0xD;
	s1 =	sshrl.u32 s1, $0x2  }
0xbb: {  	s3 =	sand.u32 $0x4000, s31;
	s1 =	sadd.s32 s1, s30  }
0xbc: {  	s0 =	sor.u32 s3, s0;
	s1 =	sshll.u32 s1, $0x11  }
0xbd: {  	s0 =	sor.u32 s1, s0  }
0xbe: {  	s0 =	sadd.s32 $0x8F2B, s0  }
0xbf: {  	[sflag:s0] =	ssyncadd.remote.s32 $0x1  }
0xc0: {  	_ =	sfence.sel $0xFFFF  }
0xc1: {  	[dreg:$0x0] =	wrdreg $0xFFFFFFFF;
	(pc) =	sbr.abs _section_cstart, $3  }
0xc2: {  	[dreg:$0x1] =	wrdreg $0xFFFFFFFF  }
0xc3: {  	_ =	task.clear_ibuf [dreg:s8], $0x2FFFF;
	_ =	strace $0x9FFFFFFF  }
0xc4: {  	(tm) =	ssettm $0x7FFFFFFF  }
0xc5: {  	_ =	shalt  }
tec
execute0_lowered:
.L_overlay_start_1:
0x0: {  	(tag) =	ssettag $0x1  }
0x1: {  	s4 =	rddreg [dreg:$0x0]  }
0x2: {  	s5 =	rddreg [dreg:$0x1]  }
0x3: {  	s6 =	rddreg [dreg:$0x2]  }
0x4: {  	s0 =	rddreg [dreg:$0x3]  }
0x5: {  	s2 =	simm.s32 $0x0;
	s3 =	srdreg.scid;
	s1 =	stileid.u32  }
0x6: {  	s12 =	simm.s32 $0x1;
	s13 =	simm.s32 $0x2;
	s14 =	simm.s32 $0x3080  }
0x7: {  	[smem:$0x7FF] =	sst s2;
	s3 =	sand.u32 $0x1, s3;
	s7 =	sshll.u32 s1, $0x1  }
0x8: {  	s15 =	simm.s32 $0x0;
	_ =	strace $0x80000047;
	s7 =	sor.u32 s3, s7  }
0x9: {  	s8 =	ssub.s32 $0x2, s3;
	s3 =	sadd.s32 $0xF42A00, s5;
	s9 =	sshll.u32 s7, $0x9  }
0xa: {  	s10 =	sshrl.u32 s8, $0x1;
	s31 =	sshll.u32 s7, $0x3;
	s11 =	sadd.s32 s9, s5  }
0xb: {  	s8 =	ssub.s32 s8, s10;
	s4 =	sadd.s32 s4, s31;
	s5 =	sadd.s32 s6, s9  }
0xc: {  	s9 =	simm.s32 $0x40;
	s10 =	simm.s32 $0x80;
	s6 =	sadd.s32 $0x600, s11  }
0xd: {  	v0 =	vlaneseq.u32;
	s7 =	smax.u32 s8, $0x1;
	s8 =	simm.s32 $0x3;
	s11 =	simm.s32 $0x2080  }
.LBB2_1:
0xe: {  	[tilespmem:s2], [sflag:$0x3] =	stream.linear.gather [hbm4b:s4+s2], $0x40, $0x38;
	[tilespmem:$0x4080] =	vst v63  }
0xf: {  	_ =	swait.ge [sflag:s8], $0x40  }
0x10: {  	[sflag:s8] =	ssyncset.done $0x0  }
0x11: {  	[sflag:s8] =	ssyncadd.s32 $0xFFFFFFC0  }
0x12: {  	[tilespmem:s10], [sflag:$0x1] =	stream.indirect.gather [hbm4b:s3+s9], $0x80, s2, s9, $0xb8;
	[tilespmem:$0x4080] =	vst v63  }
0x13: {  	_ = 	snop  }
0x14: {  	v2 =	vmov s2;
	[tilespmem:s11], [sflag:$0x2] =	stream.linear.gather [hbm4b:s5+s2], $0x1000, $0x38;
	[tilespmem:$0x4080] =	vst v63  }
0x15: {  	v1 =	vor.u32 s2, v0;
	v2 =	vshll.u32 v2, $0x1;
	_ =	swait.ge [sflag:s12], $0x2000  }
0x16: {  	v3 =	vand.u32 $0x3F, v1;
	v2 =	vand.u32 $0x1F80, v2;
	[sflag:s12] =	ssyncset.done $0x0  }
0x17: {  	v3 =	vor.u32 v3, v2;
	[sflag:s12] =	ssyncadd.s32 $0xFFFFE000  }
0x18: {  	_ =	swait.ge [sflag:s13], $0x1000  }
0x19: {  	[sflag:s13] =	ssyncset.done $0x0  }
0x1a: {  	[sflag:s13] =	ssyncadd.s32 $0xFFFFF000  }
0x1b: {  	v2 =	vld.idx.msk [tilespmem:v1+s11+$0x0], $0xffff  }
0x1c: {  	s16 =	simm.s32 $0x10;
	v3 =	vld.idx.msk [tilespmem:v3+s10+$0x0], $0xffff  }
0x1d: {  	s17 =	simm.s32 $0x20;
	v4 =	vmov s16  }
.LBB2_2:
0x1e: {  	p0 =	sne.s32 s17, $0xFF0;
	v5 =	vor.u32 s16, v0;
	v4 =	vshll.u32 v4, $0x1;
	s16 =	smov.u32 s17  }
0x1f: {  	v6 =	vand.u32 $0x3F, v5;
	v4 =	vand.u32 $0x1F80, v4  }
0x20: {  	v4 =	vor.u32 v6, v4  }
0x21: {  	v2 =	vadd.f32 v2, v3;
	_ =	sdelay $0x1  }
.Ltmp0:
0x22: {  	[tilespmem:v1+s14+$0x0] =	vst.idx.msk $0xffff, v2;
	v1 =	vmov v5;
	(pc) =	sbr.rel @p0 .LBB2_2-.Ltmp0, $3  }
0x23: {  	v2 =	vld.idx.msk [tilespmem:v5+s11+$0x0], $0xffff  }
0x24: {  	v3 =	vld.idx.msk [tilespmem:v4+s10+$0x0], $0xffff;
	_ =	sdelay $0x1  }
0x25: {  	s17 =	sadd.s32 $0x10, s17;
	v4 =	vmov s16  }
0x26: {  	v5 =	vor.u32 s16, v0;
	v4 =	vshll.u32 v4, $0x1  }
0x27: {  	v6 =	vand.u32 $0x3F, v5;
	v4 =	vand.u32 $0x1F80, v4  }
0x28: {  	v4 =	vor.u32 v6, v4  }
0x29: {  	v2 =	vadd.f32 v2, v3;
	_ =	sdelay $0x1  }
0x2a: {  	[tilespmem:v1+s14+$0x0] =	vst.idx.msk $0xffff, v2  }
0x2b: {  	v1 =	vld.idx.msk [tilespmem:v5+s11+$0x0], $0xffff  }
0x2c: {  	v2 =	vld.idx.msk [tilespmem:v4+s10+$0x0], $0xffff;
	_ =	sdelay $0x4  }
0x2d: {  	s15 =	sadd.s32 $0x1, s15;
	v1 =	vadd.f32 v1, v2  }
0x2e: {  	p0 =	sne.s32 s15, s7  }
.Ltmp1:
0x2f: {  	[tilespmem:v5+s14+$0x0] =	vst.idx.msk $0xffff, v1;
	(pc) =	sbr.rel @p0 .LBB2_1-.Ltmp1, $4  }
0x30: {  	[hbm4b:s6+s2] =	stream.linear.scatter [tilespmem:s14], [sflag:$0x3], $0x1000, $0x38;
	[tilespmem:$0x4080] =	vst v63  }
0x31: {  	_ =	swait.ge [sflag:s8], $0x1000  }
0x32: {  	[sflag:s8] =	ssyncset.done $0x0  }
0x33: {  	[sflag:s8] =	ssyncadd.s32 $0xFFFFF000  }
0x34: {  	_ =	sfence.sel $0x180000  }
0x35: {  	[bflag:$0x0] =	sbarrier.arrive $0xFFFF  }
0x36: {  	p0 =	sne.s32 s1, $0x0;
	_ =	strace $0x90000047  }
0x37: {  	s0 =	sadd.s32 @!p0 $0x100000, s0;
	[bflag:$0x2] =	sbarrier.arrive $0xFFFF  }
0x38: {  	[sflag:s0] =	ssyncadd.tile.s32 @!p0 $0x1;
	_ =	shalt  }
.Lfunc_end2:
_tile_overlayer_lowered:
.L_overlay_start_2:
0x39: {  	(tag) =	ssettag $0x2  }
0x3a: {  	s0 =	rddreg [dreg:$0x0];
	s2 =	stileid.u32  }
0x3b: {  	s1 =	rddreg [dreg:$0x1];
	p0 =	sne.s32 s2, $0x0  }
0x3c: {  	s3 =	rddreg [dreg:$0x2];
	[bflag:$0x3] =	sbarrier.arrive $0xFFFF;
	s2 =	simm.s32 @!p0 $0x1C03  }
0x3d: {  	[timem:s3], [sflag:s2] =	dma.local @!p0 [hbm:s0], s1  }
0x3e: {  	s0 =	simm.s32 @!p0 $0x3  }
0x3f: {  	_ =	swait.ge @!p0 [sflag:s0], s1  }
0x40: {  	s1 =	ssub.s32 @!p0 $0x0, s1;
	[sflag:s0] =	ssyncset.done @!p0 $0x0  }
0x41: {  	[sflag:s0] =	ssyncadd.s32 @!p0 s1  }
0x42: {  	[bflag:$0x3] =	sbarrier.arrive $0xFFFF  }
0x43: {  	_ =	shalt  }

</sc_bundles>
